<compile_context>
chip_gen: v7x
topology: tpu7x:2x2x1
jax: 0.10.2.dev20260603
libtpu: 0.0.44.dev20260713+nightly
codegen_flags: <defaults>
</compile_context>

<pallas_src>
import functools

import jax
import jax.numpy as jnp
import numpy as np
from jax import lax
from jax.experimental import pallas as pl
from jax.experimental.pallas import tpu as pltpu
from jax.experimental.pallas import tpu_sc as plsc

NB_CODE = 512
CODE_DIM = 512
WIDTH = 512
DEPTH = 3
DOWN_T = 3
DRATE = 3
INPUT_DIM = 251
N_TOK = 2048

PAD = 16
NROW = N_TOK + 2 * PAD
K3 = 3 * WIDTH

_NC = 2
_NS = 16
_NW = _NC * _NS
_B_PER_W = N_TOK // _NW

_DILS = tuple(DRATE ** d for d in range(DEPTH))[::-1]

_K_PLAIN_X = 0
_K_PLAIN_OUT = 1
_K_RES1 = 2
_K_RES2 = 3


def _sc_gather(codebook, idx):
    mesh = plsc.VectorSubcoreMesh(core_axis_name="c", subcore_axis_name="s")

    @functools.partial(
        pl.kernel,
        out_type=jax.ShapeDtypeStruct((N_TOK, CODE_DIM), jnp.float32),
        mesh=mesh,
        scratch_types=[
            pltpu.VMEM((_B_PER_W,), jnp.int32),
            pltpu.VMEM((_B_PER_W, CODE_DIM), jnp.float32),
            pltpu.SemaphoreType.DMA,
        ],
    )
    def gather_kernel(table_hbm, idx_hbm, out_hbm, idx_v, rows_v, sem):
        wid = lax.axis_index("s") * _NC + lax.axis_index("c")
        base = wid * _B_PER_W
        pltpu.sync_copy(idx_hbm.at[pl.ds(base, _B_PER_W)], idx_v)
        pltpu.async_copy(table_hbm.at[idx_v], rows_v, sem).wait()
        pltpu.sync_copy(rows_v, out_hbm.at[pl.ds(base, _B_PER_W)])

    return gather_kernel(codebook, idx)


def _layer_schedule():
    layers = [(_K_PLAIN_X, 1, 1)]
    for _ in range(DOWN_T):
        for dil in _DILS:
            layers.append((_K_RES1, dil, 0))
            layers.append((_K_RES2, 1, 0))
        layers.append((_K_PLAIN_X, 1, 0))
    layers.append((_K_PLAIN_X, 1, 1))
    layers.append((_K_PLAIN_OUT, 1, 0))
    return layers


_LAYERS = _layer_schedule()
_N_LAYERS = len(_LAYERS)
_CTRL = np.asarray([[k, d, p] for (k, d, p) in _LAYERS], dtype=np.int32)

_N_K3 = sum(1 for (k, _, _) in _LAYERS if k != _K_RES2)
_N_K1 = _N_LAYERS - _N_K3


def _k3_block_index(i):
    b = (i - 1) // 7
    r = (i - 1) % 7
    return jnp.minimum(1 + 4 * b + (r + 1) // 2, _N_K3 - 1)


def _k1_block_index(i):
    b = (i - 1) // 7
    r = (i - 1) % 7
    return jnp.minimum(3 * b + r // 2, _N_K1 - 1)


def _param_list(params):
    out = [(params['conv_in']['w'], params['conv_in']['b'])]
    for blk in params['blocks']:
        for rb in blk['res']:
            out.append((rb['c1']['w'], rb['c1']['b']))
            out.append((rb['c2']['w'], rb['c2']['b']))
        out.append((blk['conv']['w'], blk['conv']['b']))
    out.append((params['conv_mid']['w'], params['conv_mid']['b']))
    out.append((params['conv_out']['w'], params['conv_out']['b']))
    return out


def _pack_weights(params):
    k3_ws, k1_ws, biases = [], [], []
    for (w, b), (kind, _, _) in zip(_param_list(params), _LAYERS):
        o = w.shape[0]
        if o < WIDTH:
            w = jnp.pad(w, ((0, WIDTH - o), (0, 0), (0, 0)))
            b = jnp.pad(b, (0, WIDTH - o))
        if kind == _K_RES2:
            k1_ws.append(w[:, :, 0])
        else:
            k3_ws.append(w)
        biases.append(b)
    big3 = jnp.stack(k3_ws).transpose(0, 1, 3, 2).reshape(_N_K3, WIDTH, K3)
    big1 = jnp.stack(k1_ws)
    return big3, big1, jnp.stack(biases)


def _layer_body(ctrl_ref, g_ref, w3_ref, w1_ref, b_ref, out_ref,
                x_ref, t_ref, cat_ref):
    i = pl.program_id(0)
    kind = ctrl_ref[i, 0]
    dil = ctrl_ref[i, 1]
    post = ctrl_ref[i, 2]

    @pl.when(i == 0)
    def _init():
        x_ref[...] = jnp.zeros((NROW, WIDTH), jnp.float32)
        t_ref[...] = jnp.zeros((NROW, WIDTH), jnp.float32)
        x_ref[PAD:PAD + N_TOK, :] = g_ref[...]

    bias = b_ref[pl.ds(i, 1), :]

    def finish_plain(val):
        val = jnp.where(post == 1, jnp.maximum(val, 0.0), val)

        @pl.when(kind == _K_PLAIN_X)
        def _():
            x_ref[PAD:PAD + N_TOK, :] = val

        @pl.when(kind == _K_PLAIN_OUT)
        def _():
            out_ref[...] = val

    def build_cat(src_ref, d, with_relu):
        for j, s in enumerate((-d, 0, d)):
            v = src_ref[PAD + s:PAD + s + N_TOK, :]
            if with_relu:
                v = jnp.maximum(v, 0.0)
            cat_ref[:, j * WIDTH:(j + 1) * WIDTH] = v

    def dot_t(lhs, w):
        return lax.dot_general(lhs, w, (((1,), (1,)), ((), ())),
                               preferred_element_type=jnp.float32)

    @pl.when(kind <= _K_PLAIN_OUT)
    def _plain():
        build_cat(x_ref, 1, False)
        val = dot_t(cat_ref[...], w3_ref[0]) + bias
        finish_plain(val)

    for d in _DILS:
        @pl.when((kind == _K_RES1) & (dil == d))
        def _res1(d=d):
            build_cat(x_ref, d, True)
            t_ref[PAD:PAD + N_TOK, :] = dot_t(cat_ref[...], w3_ref[0]) + bias

    @pl.when(kind == _K_RES2)
    def _res2():
        v = jnp.maximum(t_ref[PAD:PAD + N_TOK, :], 0.0)
        val = dot_t(v, w1_ref[0]) + bias
        x_ref[PAD:PAD + N_TOK, :] += val


def _tc_decode(g, big3, big1, big_b):
    ctrl = jnp.asarray(_CTRL)
    return pl.pallas_call(
        _layer_body,
        grid=(_N_LAYERS,),
        in_specs=[
            pl.BlockSpec(memory_space=pltpu.SMEM),
            pl.BlockSpec((N_TOK, WIDTH), lambda i: (0, 0)),
            pl.BlockSpec((1, WIDTH, K3), lambda i: (_k3_block_index(i), 0, 0)),
            pl.BlockSpec((1, WIDTH, WIDTH), lambda i: (_k1_block_index(i), 0, 0)),
            pl.BlockSpec((_N_LAYERS, WIDTH), lambda i: (0, 0)),
        ],
        out_specs=pl.BlockSpec((N_TOK, WIDTH), lambda i: (0, 0)),
        out_shape=jax.ShapeDtypeStruct((N_TOK, WIDTH), jnp.float32),
        scratch_shapes=[
            pltpu.VMEM((NROW, WIDTH), jnp.float32),
            pltpu.VMEM((NROW, WIDTH), jnp.float32),
            pltpu.VMEM((N_TOK, K3), jnp.float32),
        ],
        compiler_params=pltpu.CompilerParams(
            dimension_semantics=("arbitrary",),
        ),
    )(ctrl, g, big3, big1, big_b)


def kernel(x, codebook, params):
    idx = x.astype(jnp.int32)
    g = _sc_gather(codebook, idx)
    big3, big1, big_b = _pack_weights(params)
    out = _tc_decode(g, big3, big1, big_b)
    return out[:, :INPUT_DIM].reshape(1, N_TOK, INPUT_DIM)

# --- scband reference (transcript-rebuilt; emitter-appended) ---
"""Pipeline reference for scband-vqvae-251-75041668596234 (READ-ONLY COPY).

The authoritative reference and input builder live on the scoring server;
editing this copy changes nothing except your own understanding.
"""

import jax, jax.numpy as jnp
import numpy as np

NB_CODE = 512
CODE_DIM = 512
WIDTH = 512
DEPTH = 3
DOWN_T = 3
DRATE = 3
INPUT_DIM = 251
N_TOK = 2048


def _conv1d(x, w, b, dilation=1):
    k = w.shape[-1]
    pad = dilation * ((k - 1) // 2)
    y = jax.lax.conv_general_dilated(
        x, w,
        window_strides=(1,),
        padding=[(pad, pad)],
        rhs_dilation=(dilation,),
        dimension_numbers=('NCW', 'OIW', 'NCW'))
    return y + b[None, :, None]


def _resblock(x, w1, b1, w2, b2, dilation):
    h = jax.nn.relu(x)
    h = _conv1d(h, w1, b1, dilation)
    h = jax.nn.relu(h)
    h = _conv1d(h, w2, b2, 1)
    return x + h


def setup_inputs(seed: int = 0):
    key = jax.random.key(seed)
    ks = jax.random.split(key, 128)
    ctr = [0]

    def nk():
        k = ks[ctr[0]]
        ctr[0] += 1
        return k

    idx = jax.random.randint(nk(), (N_TOK,), 0, NB_CODE)
    codebook = jax.random.normal(nk(), (NB_CODE, CODE_DIM), jnp.float32) * 0.02

    def conv_p(o, c, k):
        w = jax.random.normal(nk(), (o, c, k), jnp.float32) * np.float32(1.0 / np.sqrt(c * k))
        b = jnp.zeros((o,), jnp.float32)
        return {'w': w, 'b': b}

    params = {
        'conv_in': conv_p(WIDTH, CODE_DIM, 3),
        'blocks': [],
        'conv_mid': conv_p(WIDTH, WIDTH, 3),
        'conv_out': conv_p(INPUT_DIM, WIDTH, 3),
    }
    for _ in range(DOWN_T):
        res = [{'c1': conv_p(WIDTH, WIDTH, 3), 'c2': conv_p(WIDTH, WIDTH, 1)} for _ in range(DEPTH)]
        params['blocks'].append({'res': res, 'conv': conv_p(WIDTH, WIDTH, 3)})
    return {'x': idx, 'codebook': codebook, 'params': params}


def _decode(idx, codebook, params):
    # quantizer.dequantize: codebook lookup (gather)
    xd = jnp.take(codebook, idx, axis=0)            # [N, code_dim]
    h = xd.reshape(1, -1, CODE_DIM).transpose(0, 2, 1)  # [1, code_dim, N]
    # Decoder_wo_upsample
    h = _conv1d(h, params['conv_in']['w'], params['conv_in']['b'], 1)
    h = jax.nn.relu(h)
    dils = [DRATE ** d for d in range(DEPTH)][::-1]  # reverse dilation in decoder
    for blk in params['blocks']:
        for rb, dil in zip(blk['res'], dils):
            h = _resblock(h, rb['c1']['w'], rb['c1']['b'], rb['c2']['w'], rb['c2']['b'], dil)
        h = _conv1d(h, blk['conv']['w'], blk['conv']['b'], 1)
    h = _conv1d(h, params['conv_mid']['w'], params['conv_mid']['b'], 1)
    h = jax.nn.relu(h)
    h = _conv1d(h, params['conv_out']['w'], params['conv_out']['b'], 1)
    # postprocess
    return h.transpose(0, 2, 1)                      # [1, N, 251]


def reference(x, codebook, params):
    return _decode(x, codebook, params)

if __name__ == "__main__":
    import jax
    _d = setup_inputs()
    print(jax.jit(kernel)(*tuple(_d.values())))

</pallas_src>

<mosaic_0001>
#map = affine_map<(d0, d1) -> (0, 0)>
#map1 = affine_map<(d0, d1) -> (0)>
module attributes {stable_mosaic.version = 14 : i64} {
  func.func @gather_kernel(%arg0: i32, %arg1: i32, %arg2: memref<512x512xf32, #tpu.memory_space<hbm>>, %arg3: memref<2048xi32, #tpu.memory_space<hbm>>, %arg4: memref<2048x512xf32, #tpu.memory_space<hbm>>, %arg5: memref<64xi32, #tpu.memory_space<vmem>>, %arg6: memref<64x512xf32, #tpu.memory_space<vmem>>, %arg7: memref<!tpu.dma_semaphore, #tpu.memory_space<semaphore_mem>>) attributes {dimension_semantics = [#tpu.dimension_semantics<core_parallel>, #tpu.dimension_semantics<subcore_parallel>], iteration_bounds = array<i64: 2, 16>, scalar_prefetch = 0 : i64, scratch_operands = 3 : i64, tpu.core_type = #tpu.core_type<sc_vector_subcore>, window_params = [{transform_indices = #map}, {transform_indices = #map1}, {transform_indices = #map}]} {
    %mul3A = arith.constant 2 : i32
    %mul3A_0 = arith.muli %arg1, %mul3A : i32
    %add3A = arith.addi %mul3A_0, %arg0 : i32
    %mul3A_1 = arith.constant 64 : i32
    %mul3A_2 = arith.muli %add3A, %mul3A_1 : i32
    "tpu.region"() ({
      %run_scoped3A = tpu.sem_alloc : memref<!tpu.dma_semaphore, #tpu.memory_space<semaphore_mem>>
      %dma_start3A_7 = tpu.memref_slice %arg3[%mul3A_2] : memref<2048xi32, #tpu.memory_space<hbm>> -> memref<64xi32, #tpu.memory_space<hbm>>
      %dma_start3A_8 = tpu.memref_slice %arg3[%mul3A_2] : memref<2048xi32, #tpu.memory_space<hbm>> -> memref<64xi32, #tpu.memory_space<hbm>>
      tpu.enqueue_dma source(%dma_start3A_8 : memref<64xi32, #tpu.memory_space<hbm>>) target(%arg5 : memref<64xi32, #tpu.memory_space<vmem>>) target_semaphore(%run_scoped3A : memref<!tpu.dma_semaphore, #tpu.memory_space<semaphore_mem>>)
      %dma_wait3A_9 = tpu.memref_slice %arg3[%mul3A_2] : memref<2048xi32, #tpu.memory_space<hbm>> -> memref<64xi32, #tpu.memory_space<hbm>>
      %dma_wait3A_10 = tpu.memref_slice %arg3[%mul3A_2] : memref<2048xi32, #tpu.memory_space<hbm>> -> memref<64xi32, #tpu.memory_space<hbm>>
      tpu.wait_dma2 semaphore(%run_scoped3A : memref<!tpu.dma_semaphore, #tpu.memory_space<semaphore_mem>>) src(%dma_wait3A_10 : memref<64xi32, #tpu.memory_space<hbm>>) dst(%arg5 : memref<64xi32, #tpu.memory_space<vmem>>)
      tpu.yield
    }) : () -> ()
    %dma_start3A = arith.constant 0 : i32
    %dma_start3A_3 = arith.constant 0 : i32
    %dma_start3A_4 = tpu.memref_slice %arg2[%dma_start3A, %dma_start3A_3] : memref<512x512xf32, #tpu.memory_space<hbm>> -> memref<512x512xf32, #tpu.memory_space<hbm>>
    tpu.enqueue_indirect_dma source(%dma_start3A_4 : memref<512x512xf32, #tpu.memory_space<hbm>>) target(%arg6 : memref<64x512xf32, #tpu.memory_space<vmem>>) offsets(%arg5 : memref<64xi32, #tpu.memory_space<vmem>>) semaphore(%arg7 : memref<!tpu.dma_semaphore, #tpu.memory_space<semaphore_mem>>)
    %dma_wait3A = arith.constant 0 : i32
    %dma_wait3A_5 = arith.constant 0 : i32
    %dma_wait3A_6 = tpu.memref_slice %arg2[%dma_wait3A, %dma_wait3A_5] : memref<512x512xf32, #tpu.memory_space<hbm>> -> memref<512x512xf32, #tpu.memory_space<hbm>>
    tpu.wait_indirect_dma semaphore(%arg7 : memref<!tpu.dma_semaphore, #tpu.memory_space<semaphore_mem>>) src(%dma_wait3A_6 : memref<512x512xf32, #tpu.memory_space<hbm>>) dst(%arg6 : memref<64x512xf32, #tpu.memory_space<vmem>>)
    "tpu.region"() ({
      %run_scoped3A = tpu.sem_alloc : memref<!tpu.dma_semaphore, #tpu.memory_space<semaphore_mem>>
      %dma_start3A_7 = arith.constant 0 : i32
      %dma_start3A_8 = tpu.memref_slice %arg4[%mul3A_2, %dma_start3A_7] : memref<2048x512xf32, #tpu.memory_space<hbm>> -> memref<64x512xf32, #tpu.memory_space<hbm>>
      %dma_start3A_9 = arith.constant 0 : i32
      %dma_start3A_10 = tpu.memref_slice %arg4[%mul3A_2, %dma_start3A_9] : memref<2048x512xf32, #tpu.memory_space<hbm>> -> memref<64x512xf32, #tpu.memory_space<hbm>>
      tpu.enqueue_dma source(%arg6 : memref<64x512xf32, #tpu.memory_space<vmem>>) target(%dma_start3A_10 : memref<64x512xf32, #tpu.memory_space<hbm>>) target_semaphore(%run_scoped3A : memref<!tpu.dma_semaphore, #tpu.memory_space<semaphore_mem>>)
      %dma_wait3A_11 = arith.constant 0 : i32
      %dma_wait3A_12 = tpu.memref_slice %arg4[%mul3A_2, %dma_wait3A_11] : memref<2048x512xf32, #tpu.memory_space<hbm>> -> memref<64x512xf32, #tpu.memory_space<hbm>>
      %dma_wait3A_13 = arith.constant 0 : i32
      %dma_wait3A_14 = tpu.memref_slice %arg4[%mul3A_2, %dma_wait3A_13] : memref<2048x512xf32, #tpu.memory_space<hbm>> -> memref<64x512xf32, #tpu.memory_space<hbm>>
      tpu.wait_dma2 semaphore(%run_scoped3A : memref<!tpu.dma_semaphore, #tpu.memory_space<semaphore_mem>>) src(%arg6 : memref<64x512xf32, #tpu.memory_space<vmem>>) dst(%dma_wait3A_14 : memref<64x512xf32, #tpu.memory_space<hbm>>)
      tpu.yield
    }) : () -> ()
    return
  }
}

module attributes {stable_mosaic.version = 14 : i64} {
  func.func @_layer_body(%arg0: i32, %arg1: memref<24x3xi32, #tpu.memory_space<smem>>, %arg2: memref<2048x512xf32, #tpu.memory_space<vmem>>, %arg3: memref<1x512x1536xf32, #tpu.memory_space<vmem>>, %arg4: memref<1x512x512xf32, #tpu.memory_space<vmem>>, %arg5: memref<24x512xf32, #tpu.memory_space<vmem>>, %arg6: memref<2048x512xf32, #tpu.memory_space<vmem>>, %arg7: memref<2080x512xf32, #tpu.memory_space<vmem>>, %arg8: memref<2080x512xf32, #tpu.memory_space<vmem>>, %arg9: memref<2048x1536xf32, #tpu.memory_space<vmem>>) attributes {dimension_semantics = [#tpu.dimension_semantics<arbitrary>], iteration_bounds = array<i64: 24>, scalar_prefetch = 0 : i64, scratch_operands = 3 : i64, tpu.core_type = #tpu.core_type<tc>, window_params = [{transform_indices = @transform_0, window_bounds = array<i64: 24, 3>}, {pipeline_mode = #tpu.pipeline_mode<synchronous>, transform_indices = @transform_1, window_bounds = array<i64: 2048, 512>}, {transform_indices = @transform_2, window_bounds = array<i64: 1, 512, 1536>}, {transform_indices = @transform_3, window_bounds = array<i64: 1, 512, 512>}, {pipeline_mode = #tpu.pipeline_mode<synchronous>, transform_indices = @transform_4, window_bounds = array<i64: 24, 512>}, {pipeline_mode = #tpu.pipeline_mode<synchronous>, transform_indices = @transform_5, window_bounds = array<i64: 2048, 512>}]} {
    %get3A = arith.index_cast %arg0 : i32 to index
    %get3A_0 = arith.constant 0 : index
    %get3A_1 = memref.load %arg1[%get3A, %get3A_0] : memref<24x3xi32, #tpu.memory_space<smem>>
    %get3A_2 = arith.index_cast %arg0 : i32 to index
    %get3A_3 = arith.constant 1 : index
    %get3A_4 = memref.load %arg1[%get3A_2, %get3A_3] : memref<24x3xi32, #tpu.memory_space<smem>>
    %get3A_5 = arith.index_cast %arg0 : i32 to index
    %get3A_6 = arith.constant 2 : index
    %get3A_7 = memref.load %arg1[%get3A_5, %get3A_6] : memref<24x3xi32, #tpu.memory_space<smem>>
    %eq3A = arith.constant 0 : i32
    %eq3A_8 = arith.cmpi eq, %arg0, %eq3A : i32
    %convert_element_type3A = arith.extui %eq3A_8 : i1 to i32
    %cond3A = arith.constant 0 : i32
    %cond3A_9 = arith.cmpi ne, %convert_element_type3A, %cond3A : i32
    scf.if %cond3A_9 {
      %broadcast_in_dim3A = arith.constant 0.000000e+00 : f32
      %broadcast_in_dim3A_45 = vector.broadcast %broadcast_in_dim3A : f32 to vector<2080x512xf32>
      %swap3A = arith.constant 0 : index
      %swap3A_46 = arith.constant 0 : index
      %swap3A_47 = vector.load %arg7[%swap3A, %swap3A_46] : memref<2080x512xf32, #tpu.memory_space<vmem>>, vector<2080x512xf32>
      tpu.vector_store %arg7[%swap3A, %swap3A_46], %broadcast_in_dim3A_45 {strides = array<i32>} : memref<2080x512xf32, #tpu.memory_space<vmem>>, vector<2080x512xf32>,
      %broadcast_in_dim3A_48 = arith.constant 0.000000e+00 : f32
      %broadcast_in_dim3A_49 = vector.broadcast %broadcast_in_dim3A_48 : f32 to vector<2080x512xf32>
      %swap3A_50 = arith.constant 0 : index
      %swap3A_51 = arith.constant 0 : index
      %swap3A_52 = vector.load %arg8[%swap3A_50, %swap3A_51] : memref<2080x512xf32, #tpu.memory_space<vmem>>, vector<2080x512xf32>
      tpu.vector_store %arg8[%swap3A_50, %swap3A_51], %broadcast_in_dim3A_49 {strides = array<i32>} : memref<2080x512xf32, #tpu.memory_space<vmem>>, vector<2080x512xf32>,
      %get3A_53 = arith.constant 0 : index
      %get3A_54 = arith.constant 0 : index
      %get3A_55 = vector.load %arg2[%get3A_53, %get3A_54] : memref<2048x512xf32, #tpu.memory_space<vmem>>, vector<2048x512xf32>
      %swap3A_56 = arith.constant 16 : index
      %swap3A_57 = arith.constant 0 : index
      %swap3A_58 = vector.load %arg7[%swap3A_56, %swap3A_57] : memref<2080x512xf32, #tpu.memory_space<vmem>>, vector<2048x512xf32>
      tpu.vector_store %arg7[%swap3A_56, %swap3A_57], %get3A_55 {strides = array<i32>} : memref<2080x512xf32, #tpu.memory_space<vmem>>, vector<2048x512xf32>,
    } else {
    }
    %get3A_10 = arith.index_cast %arg0 : i32 to index
    %get3A_11 = arith.constant 0 : index
    %get3A_12 = vector.load %arg5[%get3A_10, %get3A_11] : memref<24x512xf32, #tpu.memory_space<vmem>>, vector<1x512xf32>
    %le3A = arith.constant 1 : i32
    %le3A_13 = arith.cmpi sle, %get3A_1, %le3A : i32
    %convert_element_type3A_14 = arith.extui %le3A_13 : i1 to i32
    %cond3A_15 = arith.constant 0 : i32
    %cond3A_16 = arith.cmpi ne, %convert_element_type3A_14, %cond3A_15 : i32
    scf.if %cond3A_16 {
      %get3A_45 = arith.constant 15 : index
      %get3A_46 = arith.constant 0 : index
      %get3A_47 = vector.load %arg7[%get3A_45, %get3A_46] : memref<2080x512xf32, #tpu.memory_space<vmem>>, vector<2048x512xf32>
      %swap3A = arith.constant 0 : index
      %swap3A_48 = arith.constant 0 : index
      %swap3A_49 = vector.load %arg9[%swap3A, %swap3A_48] : memref<2048x1536xf32, #tpu.memory_space<vmem>>, vector<2048x512xf32>
      tpu.vector_store %arg9[%swap3A, %swap3A_48], %get3A_47 {strides = array<i32>} : memref<2048x1536xf32, #tpu.memory_space<vmem>>, vector<2048x512xf32>,
      %get3A_50 = arith.constant 16 : index
      %get3A_51 = arith.constant 0 : index
      %get3A_52 = vector.load %arg7[%get3A_50, %get3A_51] : memref<2080x512xf32, #tpu.memory_space<vmem>>, vector<2048x512xf32>
      %swap3A_53 = arith.constant 0 : index
      %swap3A_54 = arith.constant 512 : index
      %swap3A_55 = vector.load %arg9[%swap3A_53, %swap3A_54] : memref<2048x1536xf32, #tpu.memory_space<vmem>>, vector<2048x512xf32>
      tpu.vector_store %arg9[%swap3A_53, %swap3A_54], %get3A_52 {strides = array<i32>} : memref<2048x1536xf32, #tpu.memory_space<vmem>>, vector<2048x512xf32>,
      %get3A_56 = arith.constant 17 : index
      %get3A_57 = arith.constant 0 : index
      %get3A_58 = vector.load %arg7[%get3A_56, %get3A_57] : memref<2080x512xf32, #tpu.memory_space<vmem>>, vector<2048x512xf32>
      %swap3A_59 = arith.constant 0 : index
      %swap3A_60 = arith.constant 1024 : index
      %swap3A_61 = vector.load %arg9[%swap3A_59, %swap3A_60] : memref<2048x1536xf32, #tpu.memory_space<vmem>>, vector<2048x512xf32>
      tpu.vector_store %arg9[%swap3A_59, %swap3A_60], %get3A_58 {strides = array<i32>} : memref<2048x1536xf32, #tpu.memory_space<vmem>>, vector<2048x512xf32>,
      %get3A_62 = arith.constant 0 : index
      %get3A_63 = arith.constant 0 : index
      %get3A_64 = vector.load %arg9[%get3A_62, %get3A_63] : memref<2048x1536xf32, #tpu.memory_space<vmem>>, vector<2048x1536xf32>
      %get3A_65 = arith.constant 0 : index
      %get3A_66 = arith.constant 0 : index
      %get3A_67 = arith.constant 0 : index
      %get3A_68 = vector.load %arg3[%get3A_65, %get3A_66, %get3A_67] : memref<1x512x1536xf32, #tpu.memory_space<vmem>>, vector<1x512x1536xf32>
      %get3A_69 = vector.shape_cast %get3A_68 : vector<1x512x1536xf32> to vector<512x1536xf32>
      %dot_general3A = arith.constant dense<0.000000e+00> : vector<2048x512xf32>
      %dot_general3A_70 = tpu.matmul %get3A_64, %get3A_69, %dot_general3A {dimension_numbers = #tpu.dot_dimension_numbers<[1], [1], [0], [0], [0, 0, 1, 0], [], []>, transpose_lhs_hint = false} : vector<2048x1536xf32>, vector<512x1536xf32>, vector<2048x512xf32> -> vector<2048x512xf32>
      %add3A = vector.broadcast %get3A_12 : vector<1x512xf32> to vector<2048x512xf32>
      %add3A_71 = arith.addf %dot_general3A_70, %add3A : vector<2048x512xf32>
      %eq3A_72 = arith.constant 1 : i32
      %eq3A_73 = arith.cmpi eq, %get3A_7, %eq3A_72 : i32
      %max3A = arith.constant 0.000000e+00 : f32
      %max3A_74 = vector.broadcast %max3A : f32 to vector<2048x512xf32>
      %max3A_75 = arith.maximumf %add3A_71, %max3A_74 : vector<2048x512xf32>
      %select_n3A = arith.select %eq3A_73, %max3A_75, %add3A_71 : vector<2048x512xf32>
      %eq3A_76 = arith.constant 0 : i32
      %eq3A_77 = arith.cmpi eq, %get3A_1, %eq3A_76 : i32
      %convert_element_type3A_78 = arith.extui %eq3A_77 : i1 to i32
      %cond3A_79 = arith.constant 0 : i32
      %cond3A_80 = arith.cmpi ne, %convert_element_type3A_78, %cond3A_79 : i32
      scf.if %cond3A_80 {
        %swap3A_86 = arith.constant 16 : index
        %swap3A_87 = arith.constant 0 : index
        %swap3A_88 = vector.load %arg7[%swap3A_86, %swap3A_87] : memref<2080x512xf32, #tpu.memory_space<vmem>>, vector<2048x512xf32>
        tpu.vector_store %arg7[%swap3A_86, %swap3A_87], %select_n3A {strides = array<i32>} : memref<2080x512xf32, #tpu.memory_space<vmem>>, vector<2048x512xf32>,
      } else {
      }
      %eq3A_81 = arith.constant 1 : i32
      %eq3A_82 = arith.cmpi eq, %get3A_1, %eq3A_81 : i32
      %convert_element_type3A_83 = arith.extui %eq3A_82 : i1 to i32
      %cond3A_84 = arith.constant 0 : i32
      %cond3A_85 = arith.cmpi ne, %convert_element_type3A_83, %cond3A_84 : i32
      scf.if %cond3A_85 {
        %swap3A_86 = arith.constant 0 : index
        %swap3A_87 = arith.constant 0 : index
        %swap3A_88 = vector.load %arg6[%swap3A_86, %swap3A_87] : memref<2048x512xf32, #tpu.memory_space<vmem>>, vector<2048x512xf32>
        tpu.vector_store %arg6[%swap3A_86, %swap3A_87], %select_n3A {strides = array<i32>} : memref<2048x512xf32, #tpu.memory_space<vmem>>, vector<2048x512xf32>,
      } else {
      }
    } else {
    }
    %eq3A_17 = arith.constant 2 : i32
    %eq3A_18 = arith.cmpi eq, %get3A_1, %eq3A_17 : i32
    %eq3A_19 = arith.constant 9 : i32
    %eq3A_20 = arith.cmpi eq, %get3A_4, %eq3A_19 : i32
    %and3A = arith.andi %eq3A_18, %eq3A_20 : i1
    %convert_element_type3A_21 = arith.extui %and3A : i1 to i32
    %cond3A_22 = arith.constant 0 : i32
    %cond3A_23 = arith.cmpi ne, %convert_element_type3A_21, %cond3A_22 : i32
    scf.if %cond3A_23 {
      %get3A_45 = arith.constant 7 : index
      %get3A_46 = arith.constant 0 : index
      %get3A_47 = vector.load %arg7[%get3A_45, %get3A_46] : memref<2080x512xf32, #tpu.memory_space<vmem>>, vector<2048x512xf32>
      %max3A = arith.constant 0.000000e+00 : f32
      %max3A_48 = vector.broadcast %max3A : f32 to vector<2048x512xf32>
      %max3A_49 = arith.maximumf %get3A_47, %max3A_48 : vector<2048x512xf32>
      %swap3A = arith.constant 0 : index
      %swap3A_50 = arith.constant 0 : index
      %swap3A_51 = vector.load %arg9[%swap3A, %swap3A_50] : memref<2048x1536xf32, #tpu.memory_space<vmem>>, vector<2048x512xf32>
      tpu.vector_store %arg9[%swap3A, %swap3A_50], %max3A_49 {strides = array<i32>} : memref<2048x1536xf32, #tpu.memory_space<vmem>>, vector<2048x512xf32>,
      %get3A_52 = arith.constant 16 : index
      %get3A_53 = arith.constant 0 : index
      %get3A_54 = vector.load %arg7[%get3A_52, %get3A_53] : memref<2080x512xf32, #tpu.memory_space<vmem>>, vector<2048x512xf32>
      %max3A_55 = arith.constant 0.000000e+00 : f32
      %max3A_56 = vector.broadcast %max3A_55 : f32 to vector<2048x512xf32>
      %max3A_57 = arith.maximumf %get3A_54, %max3A_56 : vector<2048x512xf32>
      %swap3A_58 = arith.constant 0 : index
      %swap3A_59 = arith.constant 512 : index
      %swap3A_60 = vector.load %arg9[%swap3A_58, %swap3A_59] : memref<2048x1536xf32, #tpu.memory_space<vmem>>, vector<2048x512xf32>
      tpu.vector_store %arg9[%swap3A_58, %swap3A_59], %max3A_57 {strides = array<i32>} : memref<2048x1536xf32, #tpu.memory_space<vmem>>, vector<2048x512xf32>,
      %get3A_61 = arith.constant 25 : index
      %get3A_62 = arith.constant 0 : index
      %get3A_63 = vector.load %arg7[%get3A_61, %get3A_62] : memref<2080x512xf32, #tpu.memory_space<vmem>>, vector<2048x512xf32>
      %max3A_64 = arith.constant 0.000000e+00 : f32
      %max3A_65 = vector.broadcast %max3A_64 : f32 to vector<2048x512xf32>
      %max3A_66 = arith.maximumf %get3A_63, %max3A_65 : vector<2048x512xf32>
      %swap3A_67 = arith.constant 0 : index
      %swap3A_68 = arith.constant 1024 : index
      %swap3A_69 = vector.load %arg9[%swap3A_67, %swap3A_68] : memref<2048x1536xf32, #tpu.memory_space<vmem>>, vector<2048x512xf32>
      tpu.vector_store %arg9[%swap3A_67, %swap3A_68], %max3A_66 {strides = array<i32>} : memref<2048x1536xf32, #tpu.memory_space<vmem>>, vector<2048x512xf32>,
      %get3A_70 = arith.constant 0 : index
      %get3A_71 = arith.constant 0 : index
      %get3A_72 = vector.load %arg9[%get3A_70, %get3A_71] : memref<2048x1536xf32, #tpu.memory_space<vmem>>, vector<2048x1536xf32>
      %get3A_73 = arith.constant 0 : index
      %get3A_74 = arith.constant 0 : index
      %get3A_75 = arith.constant 0 : index
      %get3A_76 = vector.load %arg3[%get3A_73, %get3A_74, %get3A_75] : memref<1x512x1536xf32, #tpu.memory_space<vmem>>, vector<1x512x1536xf32>
      %get3A_77 = vector.shape_cast %get3A_76 : vector<1x512x1536xf32> to vector<512x1536xf32>
      %dot_general3A = arith.constant dense<0.000000e+00> : vector<2048x512xf32>
      %dot_general3A_78 = tpu.matmul %get3A_72, %get3A_77, %dot_general3A {dimension_numbers = #tpu.dot_dimension_numbers<[1], [1], [0], [0], [0, 0, 1, 0], [], []>, transpose_lhs_hint = false} : vector<2048x1536xf32>, vector<512x1536xf32>, vector<2048x512xf32> -> vector<2048x512xf32>
      %add3A = vector.broadcast %get3A_12 : vector<1x512xf32> to vector<2048x512xf32>
      %add3A_79 = arith.addf %dot_general3A_78, %add3A : vector<2048x512xf32>
      %swap3A_80 = arith.constant 16 : index
      %swap3A_81 = arith.constant 0 : index
      %swap3A_82 = vector.load %arg8[%swap3A_80, %swap3A_81] : memref<2080x512xf32, #tpu.memory_space<vmem>>, vector<2048x512xf32>
      tpu.vector_store %arg8[%swap3A_80, %swap3A_81], %add3A_79 {strides = array<i32>} : memref<2080x512xf32, #tpu.memory_space<vmem>>, vector<2048x512xf32>,
    } else {
    }
    %eq3A_24 = arith.constant 2 : i32
    %eq3A_25 = arith.cmpi eq, %get3A_1, %eq3A_24 : i32
    %eq3A_26 = arith.constant 3 : i32
    %eq3A_27 = arith.cmpi eq, %get3A_4, %eq3A_26 : i32
    %and3A_28 = arith.andi %eq3A_25, %eq3A_27 : i1
    %convert_element_type3A_29 = arith.extui %and3A_28 : i1 to i32
    %cond3A_30 = arith.constant 0 : i32
    %cond3A_31 = arith.cmpi ne, %convert_element_type3A_29, %cond3A_30 : i32
    scf.if %cond3A_31 {
      %get3A_45 = arith.constant 13 : index
      %get3A_46 = arith.constant 0 : index
      %get3A_47 = vector.load %arg7[%get3A_45, %get3A_46] : memref<2080x512xf32, #tpu.memory_space<vmem>>, vector<2048x512xf32>
      %max3A = arith.constant 0.000000e+00 : f32
      %max3A_48 = vector.broadcast %max3A : f32 to vector<2048x512xf32>
      %max3A_49 = arith.maximumf %get3A_47, %max3A_48 : vector<2048x512xf32>
      %swap3A = arith.constant 0 : index
      %swap3A_50 = arith.constant 0 : index
      %swap3A_51 = vector.load %arg9[%swap3A, %swap3A_50] : memref<2048x1536xf32, #tpu.memory_space<vmem>>, vector<2048x512xf32>
      tpu.vector_store %arg9[%swap3A, %swap3A_50], %max3A_49 {strides = array<i32>} : memref<2048x1536xf32, #tpu.memory_space<vmem>>, vector<2048x512xf32>,
      %get3A_52 = arith.constant 16 : index
      %get3A_53 = arith.constant 0 : index
      %get3A_54 = vector.load %arg7[%get3A_52, %get3A_53] : memref<2080x512xf32, #tpu.memory_space<vmem>>, vector<2048x512xf32>
      %max3A_55 = arith.constant 0.000000e+00 : f32
      %max3A_56 = vector.broadcast %max3A_55 : f32 to vector<2048x512xf32>
      %max3A_57 = arith.maximumf %get3A_54, %max3A_56 : vector<2048x512xf32>
      %swap3A_58 = arith.constant 0 : index
      %swap3A_59 = arith.constant 512 : index
      %swap3A_60 = vector.load %arg9[%swap3A_58, %swap3A_59] : memref<2048x1536xf32, #tpu.memory_space<vmem>>, vector<2048x512xf32>
      tpu.vector_store %arg9[%swap3A_58, %swap3A_59], %max3A_57 {strides = array<i32>} : memref<2048x1536xf32, #tpu.memory_space<vmem>>, vector<2048x512xf32>,
      %get3A_61 = arith.constant 19 : index
      %get3A_62 = arith.constant 0 : index
      %get3A_63 = vector.load %arg7[%get3A_61, %get3A_62] : memref<2080x512xf32, #tpu.memory_space<vmem>>, vector<2048x512xf32>
      %max3A_64 = arith.constant 0.000000e+00 : f32
      %max3A_65 = vector.broadcast %max3A_64 : f32 to vector<2048x512xf32>
      %max3A_66 = arith.maximumf %get3A_63, %max3A_65 : vector<2048x512xf32>
      %swap3A_67 = arith.constant 0 : index
      %swap3A_68 = arith.constant 1024 : index
      %swap3A_69 = vector.load %arg9[%swap3A_67, %swap3A_68] : memref<2048x1536xf32, #tpu.memory_space<vmem>>, vector<2048x512xf32>
      tpu.vector_store %arg9[%swap3A_67, %swap3A_68], %max3A_66 {strides = array<i32>} : memref<2048x1536xf32, #tpu.memory_space<vmem>>, vector<2048x512xf32>,
      %get3A_70 = arith.constant 0 : index
      %get3A_71 = arith.constant 0 : index
      %get3A_72 = vector.load %arg9[%get3A_70, %get3A_71] : memref<2048x1536xf32, #tpu.memory_space<vmem>>, vector<2048x1536xf32>
      %get3A_73 = arith.constant 0 : index
      %get3A_74 = arith.constant 0 : index
      %get3A_75 = arith.constant 0 : index
      %get3A_76 = vector.load %arg3[%get3A_73, %get3A_74, %get3A_75] : memref<1x512x1536xf32, #tpu.memory_space<vmem>>, vector<1x512x1536xf32>
      %get3A_77 = vector.shape_cast %get3A_76 : vector<1x512x1536xf32> to vector<512x1536xf32>
      %dot_general3A = arith.constant dense<0.000000e+00> : vector<2048x512xf32>
      %dot_general3A_78 = tpu.matmul %get3A_72, %get3A_77, %dot_general3A {dimension_numbers = #tpu.dot_dimension_numbers<[1], [1], [0], [0], [0, 0, 1, 0], [], []>, transpose_lhs_hint = false} : vector<2048x1536xf32>, vector<512x1536xf32>, vector<2048x512xf32> -> vector<2048x512xf32>
      %add3A = vector.broadcast %get3A_12 : vector<1x512xf32> to vector<2048x512xf32>
      %add3A_79 = arith.addf %dot_general3A_78, %add3A : vector<2048x512xf32>
      %swap3A_80 = arith.constant 16 : index
      %swap3A_81 = arith.constant 0 : index
      %swap3A_82 = vector.load %arg8[%swap3A_80, %swap3A_81] : memref<2080x512xf32, #tpu.memory_space<vmem>>, vector<2048x512xf32>
      tpu.vector_store %arg8[%swap3A_80, %swap3A_81], %add3A_79 {strides = array<i32>} : memref<2080x512xf32, #tpu.memory_space<vmem>>, vector<2048x512xf32>,
    } else {
    }
    %eq3A_32 = arith.constant 2 : i32
    %eq3A_33 = arith.cmpi eq, %get3A_1, %eq3A_32 : i32
    %eq3A_34 = arith.constant 1 : i32
    %eq3A_35 = arith.cmpi eq, %get3A_4, %eq3A_34 : i32
    %and3A_36 = arith.andi %eq3A_33, %eq3A_35 : i1
    %convert_element_type3A_37 = arith.extui %and3A_36 : i1 to i32
    %cond3A_38 = arith.constant 0 : i32
    %cond3A_39 = arith.cmpi ne, %convert_element_type3A_37, %cond3A_38 : i32
    scf.if %cond3A_39 {
      %get3A_45 = arith.constant 15 : index
      %get3A_46 = arith.constant 0 : index
      %get3A_47 = vector.load %arg7[%get3A_45, %get3A_46] : memref<2080x512xf32, #tpu.memory_space<vmem>>, vector<2048x512xf32>
      %max3A = arith.constant 0.000000e+00 : f32
      %max3A_48 = vector.broadcast %max3A : f32 to vector<2048x512xf32>
      %max3A_49 = arith.maximumf %get3A_47, %max3A_48 : vector<2048x512xf32>
      %swap3A = arith.constant 0 : index
      %swap3A_50 = arith.constant 0 : index
      %swap3A_51 = vector.load %arg9[%swap3A, %swap3A_50] : memref<2048x1536xf32, #tpu.memory_space<vmem>>, vector<2048x512xf32>
      tpu.vector_store %arg9[%swap3A, %swap3A_50], %max3A_49 {strides = array<i32>} : memref<2048x1536xf32, #tpu.memory_space<vmem>>, vector<2048x512xf32>,
      %get3A_52 = arith.constant 16 : index
      %get3A_53 = arith.constant 0 : index
      %get3A_54 = vector.load %arg7[%get3A_52, %get3A_53] : memref<2080x512xf32, #tpu.memory_space<vmem>>, vector<2048x512xf32>
      %max3A_55 = arith.constant 0.000000e+00 : f32
      %max3A_56 = vector.broadcast %max3A_55 : f32 to vector<2048x512xf32>
      %max3A_57 = arith.maximumf %get3A_54, %max3A_56 : vector<2048x512xf32>
      %swap3A_58 = arith.constant 0 : index
      %swap3A_59 = arith.constant 512 : index
      %swap3A_60 = vector.load %arg9[%swap3A_58, %swap3A_59] : memref<2048x1536xf32, #tpu.memory_space<vmem>>, vector<2048x512xf32>
      tpu.vector_store %arg9[%swap3A_58, %swap3A_59], %max3A_57 {strides = array<i32>} : memref<2048x1536xf32, #tpu.memory_space<vmem>>, vector<2048x512xf32>,
      %get3A_61 = arith.constant 17 : index
      %get3A_62 = arith.constant 0 : index
      %get3A_63 = vector.load %arg7[%get3A_61, %get3A_62] : memref<2080x512xf32, #tpu.memory_space<vmem>>, vector<2048x512xf32>
      %max3A_64 = arith.constant 0.000000e+00 : f32
      %max3A_65 = vector.broadcast %max3A_64 : f32 to vector<2048x512xf32>
      %max3A_66 = arith.maximumf %get3A_63, %max3A_65 : vector<2048x512xf32>
      %swap3A_67 = arith.constant 0 : index
      %swap3A_68 = arith.constant 1024 : index
      %swap3A_69 = vector.load %arg9[%swap3A_67, %swap3A_68] : memref<2048x1536xf32, #tpu.memory_space<vmem>>, vector<2048x512xf32>
      tpu.vector_store %arg9[%swap3A_67, %swap3A_68], %max3A_66 {strides = array<i32>} : memref<2048x1536xf32, #tpu.memory_space<vmem>>, vector<2048x512xf32>,
      %get3A_70 = arith.constant 0 : index
      %get3A_71 = arith.constant 0 : index
      %get3A_72 = vector.load %arg9[%get3A_70, %get3A_71] : memref<2048x1536xf32, #tpu.memory_space<vmem>>, vector<2048x1536xf32>
      %get3A_73 = arith.constant 0 : index
      %get3A_74 = arith.constant 0 : index
      %get3A_75 = arith.constant 0 : index
      %get3A_76 = vector.load %arg3[%get3A_73, %get3A_74, %get3A_75] : memref<1x512x1536xf32, #tpu.memory_space<vmem>>, vector<1x512x1536xf32>
      %get3A_77 = vector.shape_cast %get3A_76 : vector<1x512x1536xf32> to vector<512x1536xf32>
      %dot_general3A = arith.constant dense<0.000000e+00> : vector<2048x512xf32>
      %dot_general3A_78 = tpu.matmul %get3A_72, %get3A_77, %dot_general3A {dimension_numbers = #tpu.dot_dimension_numbers<[1], [1], [0], [0], [0, 0, 1, 0], [], []>, transpose_lhs_hint = false} : vector<2048x1536xf32>, vector<512x1536xf32>, vector<2048x512xf32> -> vector<2048x512xf32>
      %add3A = vector.broadcast %get3A_12 : vector<1x512xf32> to vector<2048x512xf32>
      %add3A_79 = arith.addf %dot_general3A_78, %add3A : vector<2048x512xf32>
      %swap3A_80 = arith.constant 16 : index
      %swap3A_81 = arith.constant 0 : index
      %swap3A_82 = vector.load %arg8[%swap3A_80, %swap3A_81] : memref<2080x512xf32, #tpu.memory_space<vmem>>, vector<2048x512xf32>
      tpu.vector_store %arg8[%swap3A_80, %swap3A_81], %add3A_79 {strides = array<i32>} : memref<2080x512xf32, #tpu.memory_space<vmem>>, vector<2048x512xf32>,
    } else {
    }
    %eq3A_40 = arith.constant 3 : i32
    %eq3A_41 = arith.cmpi eq, %get3A_1, %eq3A_40 : i32
    %convert_element_type3A_42 = arith.extui %eq3A_41 : i1 to i32
    %cond3A_43 = arith.constant 0 : i32
    %cond3A_44 = arith.cmpi ne, %convert_element_type3A_42, %cond3A_43 : i32
    scf.if %cond3A_44 {
      %get3A_45 = arith.constant 16 : index
      %get3A_46 = arith.constant 0 : index
      %get3A_47 = vector.load %arg8[%get3A_45, %get3A_46] : memref<2080x512xf32, #tpu.memory_space<vmem>>, vector<2048x512xf32>
      %max3A = arith.constant 0.000000e+00 : f32
      %max3A_48 = vector.broadcast %max3A : f32 to vector<2048x512xf32>
      %max3A_49 = arith.maximumf %get3A_47, %max3A_48 : vector<2048x512xf32>
      %get3A_50 = arith.constant 0 : index
      %get3A_51 = arith.constant 0 : index
      %get3A_52 = arith.constant 0 : index
      %get3A_53 = vector.load %arg4[%get3A_50, %get3A_51, %get3A_52] : memref<1x512x512xf32, #tpu.memory_space<vmem>>, vector<1x512x512xf32>
      %get3A_54 = vector.shape_cast %get3A_53 : vector<1x512x512xf32> to vector<512x512xf32>
      %dot_general3A = arith.constant dense<0.000000e+00> : vector<2048x512xf32>
      %dot_general3A_55 = tpu.matmul %max3A_49, %get3A_54, %dot_general3A {dimension_numbers = #tpu.dot_dimension_numbers<[1], [1], [0], [0], [0, 0, 1, 0], [], []>, transpose_lhs_hint = false} : vector<2048x512xf32>, vector<512x512xf32>, vector<2048x512xf32> -> vector<2048x512xf32>
      %add3A = vector.broadcast %get3A_12 : vector<1x512xf32> to vector<2048x512xf32>
      %add3A_56 = arith.addf %dot_general3A_55, %add3A : vector<2048x512xf32>
      %get3A_57 = arith.constant 16 : index
      %get3A_58 = arith.constant 0 : index
      %get3A_59 = vector.load %arg7[%get3A_57, %get3A_58] : memref<2080x512xf32, #tpu.memory_space<vmem>>, vector<2048x512xf32>
      %add3A_60 = arith.addf %get3A_59, %add3A_56 : vector<2048x512xf32>
      %swap3A = arith.constant 16 : index
      %swap3A_61 = arith.constant 0 : index
      %swap3A_62 = vector.load %arg7[%swap3A, %swap3A_61] : memref<2080x512xf32, #tpu.memory_space<vmem>>, vector<2048x512xf32>
      tpu.vector_store %arg7[%swap3A, %swap3A_61], %add3A_60 {strides = array<i32>} : memref<2080x512xf32, #tpu.memory_space<vmem>>, vector<2048x512xf32>,
    } else {
    }
    return
  }
  func.func @transform_0(%arg0: i32) -> (i32, i32) {
    %c0_i32 = arith.constant 0 : i32
    %c0_i32_0 = arith.constant 0 : i32
    %c0_i32_1 = arith.constant 0 : i32
    return %c0_i32, %c0_i32_0 : i32, i32
  }
  func.func @transform_1(%arg0: i32) -> (i32, i32) {
    %c0_i32 = arith.constant 0 : i32
    %c0_i32_0 = arith.constant 0 : i32
    %c0_i32_1 = arith.constant 0 : i32
    return %c0_i32, %c0_i32_0 : i32, i32
  }
  func.func @transform_2(%arg0: i32) -> (i32, i32, i32) {
    %sub3A = arith.constant 1 : i32
    %sub3A_0 = arith.subi %arg0, %sub3A : i32
    %jit3A = arith.constant 7 : i32
    %div3A = arith.divsi %sub3A_0, %jit3A : i32
    %sign3A = arith.constant 0 : i32
    %sign3A_1 = arith.cmpi sgt, %sub3A_0, %sign3A : i32
    %sign3A_2 = arith.extui %sign3A_1 : i1 to i32
    %sign3A_3 = arith.constant 0 : i32
    %sign3A_4 = arith.cmpi slt, %sub3A_0, %sign3A_3 : i32
    %sign3A_5 = arith.extui %sign3A_4 : i1 to i32
    %sign3A_6 = arith.subi %sign3A_2, %sign3A_5 : i32
    %sign3A_7 = arith.constant 0 : i32
    %sign3A_8 = arith.cmpi sgt, %jit3A, %sign3A_7 : i32
    %sign3A_9 = arith.extui %sign3A_8 : i1 to i32
    %sign3A_10 = arith.constant 0 : i32
    %sign3A_11 = arith.cmpi slt, %jit3A, %sign3A_10 : i32
    %sign3A_12 = arith.extui %sign3A_11 : i1 to i32
    %sign3A_13 = arith.subi %sign3A_9, %sign3A_12 : i32
    %ne3A = arith.cmpi ne, %sign3A_6, %sign3A_13 : i32
    %rem3A = arith.remsi %sub3A_0, %jit3A : i32
    %ne3A_14 = arith.constant 0 : i32
    %ne3A_15 = arith.cmpi ne, %rem3A, %ne3A_14 : i32
    %and3A = arith.andi %ne3A, %ne3A_15 : i1
    %sub3A_16 = arith.constant 1 : i32
    %sub3A_17 = arith.subi %div3A, %sub3A_16 : i32
    %select_n3A = arith.select %and3A, %sub3A_17, %div3A : i32
    %sub3A_18 = arith.constant 1 : i32
    %sub3A_19 = arith.subi %arg0, %sub3A_18 : i32
    %jit3A_20 = arith.constant 7 : i32
    %eq3A = arith.constant 0 : i32
    %eq3A_21 = arith.cmpi eq, %jit3A_20, %eq3A : i32
    %jit3A_22 = arith.constant 1 : i32
    %select_n3A_23 = arith.select %eq3A_21, %jit3A_22, %jit3A_20 : i32
    %rem3A_24 = arith.remsi %sub3A_19, %select_n3A_23 : i32
    %ne3A_25 = arith.constant 0 : i32
    %ne3A_26 = arith.cmpi ne, %rem3A_24, %ne3A_25 : i32
    %lt3A = arith.constant 0 : i32
    %lt3A_27 = arith.cmpi slt, %rem3A_24, %lt3A : i32
    %lt3A_28 = arith.constant 0 : i32
    %lt3A_29 = arith.cmpi slt, %select_n3A_23, %lt3A_28 : i32
    %ne3A_30 = arith.xori %lt3A_27, %lt3A_29 : i1
    %and3A_31 = arith.andi %ne3A_30, %ne3A_26 : i1
    %add3A = arith.addi %rem3A_24, %select_n3A_23 : i32
    %select_n3A_32 = arith.select %and3A_31, %add3A, %rem3A_24 : i32
    %mul3A = arith.constant 4 : i32
    %mul3A_33 = arith.muli %mul3A, %select_n3A : i32
    %add3A_34 = arith.constant 1 : i32
    %add3A_35 = arith.addi %add3A_34, %mul3A_33 : i32
    %add3A_36 = arith.constant 1 : i32
    %add3A_37 = arith.addi %select_n3A_32, %add3A_36 : i32
    %jit3A_38 = arith.constant 2 : i32
    %div3A_39 = arith.divsi %add3A_37, %jit3A_38 : i32
    %sign3A_40 = arith.constant 0 : i32
    %sign3A_41 = arith.cmpi sgt, %add3A_37, %sign3A_40 : i32
    %sign3A_42 = arith.extui %sign3A_41 : i1 to i32
    %sign3A_43 = arith.constant 0 : i32
    %sign3A_44 = arith.cmpi slt, %add3A_37, %sign3A_43 : i32
    %sign3A_45 = arith.extui %sign3A_44 : i1 to i32
    %sign3A_46 = arith.subi %sign3A_42, %sign3A_45 : i32
    %sign3A_47 = arith.constant 0 : i32
    %sign3A_48 = arith.cmpi sgt, %jit3A_38, %sign3A_47 : i32
    %sign3A_49 = arith.extui %sign3A_48 : i1 to i32
    %sign3A_50 = arith.constant 0 : i32
    %sign3A_51 = arith.cmpi slt, %jit3A_38, %sign3A_50 : i32
    %sign3A_52 = arith.extui %sign3A_51 : i1 to i32
    %sign3A_53 = arith.subi %sign3A_49, %sign3A_52 : i32
    %ne3A_54 = arith.cmpi ne, %sign3A_46, %sign3A_53 : i32
    %rem3A_55 = arith.remsi %add3A_37, %jit3A_38 : i32
    %ne3A_56 = arith.constant 0 : i32
    %ne3A_57 = arith.cmpi ne, %rem3A_55, %ne3A_56 : i32
    %and3A_58 = arith.andi %ne3A_54, %ne3A_57 : i1
    %sub3A_59 = arith.constant 1 : i32
    %sub3A_60 = arith.subi %div3A_39, %sub3A_59 : i32
    %select_n3A_61 = arith.select %and3A_58, %sub3A_60, %div3A_39 : i32
    %add3A_62 = arith.addi %add3A_35, %select_n3A_61 : i32
    %min3A = arith.constant 14 : i32
    %min3A_63 = arith.minsi %add3A_62, %min3A : i32
    %c0_i32 = arith.constant 0 : i32
    %c0_i32_64 = arith.constant 0 : i32
    %c0_i32_65 = arith.constant 0 : i32
    return %min3A_63, %c0_i32, %c0_i32_64 : i32, i32, i32
  }
  func.func @transform_3(%arg0: i32) -> (i32, i32, i32) {
    %sub3A = arith.constant 1 : i32
    %sub3A_0 = arith.subi %arg0, %sub3A : i32
    %jit3A = arith.constant 7 : i32
    %div3A = arith.divsi %sub3A_0, %jit3A : i32
    %sign3A = arith.constant 0 : i32
    %sign3A_1 = arith.cmpi sgt, %sub3A_0, %sign3A : i32
    %sign3A_2 = arith.extui %sign3A_1 : i1 to i32
    %sign3A_3 = arith.constant 0 : i32
    %sign3A_4 = arith.cmpi slt, %sub3A_0, %sign3A_3 : i32
    %sign3A_5 = arith.extui %sign3A_4 : i1 to i32
    %sign3A_6 = arith.subi %sign3A_2, %sign3A_5 : i32
    %sign3A_7 = arith.constant 0 : i32
    %sign3A_8 = arith.cmpi sgt, %jit3A, %sign3A_7 : i32
    %sign3A_9 = arith.extui %sign3A_8 : i1 to i32
    %sign3A_10 = arith.constant 0 : i32
    %sign3A_11 = arith.cmpi slt, %jit3A, %sign3A_10 : i32
    %sign3A_12 = arith.extui %sign3A_11 : i1 to i32
    %sign3A_13 = arith.subi %sign3A_9, %sign3A_12 : i32
    %ne3A = arith.cmpi ne, %sign3A_6, %sign3A_13 : i32
    %rem3A = arith.remsi %sub3A_0, %jit3A : i32
    %ne3A_14 = arith.constant 0 : i32
    %ne3A_15 = arith.cmpi ne, %rem3A, %ne3A_14 : i32
    %and3A = arith.andi %ne3A, %ne3A_15 : i1
    %sub3A_16 = arith.constant 1 : i32
    %sub3A_17 = arith.subi %div3A, %sub3A_16 : i32
    %select_n3A = arith.select %and3A, %sub3A_17, %div3A : i32
    %sub3A_18 = arith.constant 1 : i32
    %sub3A_19 = arith.subi %arg0, %sub3A_18 : i32
    %jit3A_20 = arith.constant 7 : i32
    %eq3A = arith.constant 0 : i32
    %eq3A_21 = arith.cmpi eq, %jit3A_20, %eq3A : i32
    %jit3A_22 = arith.constant 1 : i32
    %select_n3A_23 = arith.select %eq3A_21, %jit3A_22, %jit3A_20 : i32
    %rem3A_24 = arith.remsi %sub3A_19, %select_n3A_23 : i32
    %ne3A_25 = arith.constant 0 : i32
    %ne3A_26 = arith.cmpi ne, %rem3A_24, %ne3A_25 : i32
    %lt3A = arith.constant 0 : i32
    %lt3A_27 = arith.cmpi slt, %rem3A_24, %lt3A : i32
    %lt3A_28 = arith.constant 0 : i32
    %lt3A_29 = arith.cmpi slt, %select_n3A_23, %lt3A_28 : i32
    %ne3A_30 = arith.xori %lt3A_27, %lt3A_29 : i1
    %and3A_31 = arith.andi %ne3A_30, %ne3A_26 : i1
    %add3A = arith.addi %rem3A_24, %select_n3A_23 : i32
    %select_n3A_32 = arith.select %and3A_31, %add3A, %rem3A_24 : i32
    %mul3A = arith.constant 3 : i32
    %mul3A_33 = arith.muli %mul3A, %select_n3A : i32
    %jit3A_34 = arith.constant 2 : i32
    %div3A_35 = arith.divsi %select_n3A_32, %jit3A_34 : i32
    %sign3A_36 = arith.constant 0 : i32
    %sign3A_37 = arith.cmpi sgt, %select_n3A_32, %sign3A_36 : i32
    %sign3A_38 = arith.extui %sign3A_37 : i1 to i32
    %sign3A_39 = arith.constant 0 : i32
    %sign3A_40 = arith.cmpi slt, %select_n3A_32, %sign3A_39 : i32
    %sign3A_41 = arith.extui %sign3A_40 : i1 to i32
    %sign3A_42 = arith.subi %sign3A_38, %sign3A_41 : i32
    %sign3A_43 = arith.constant 0 : i32
    %sign3A_44 = arith.cmpi sgt, %jit3A_34, %sign3A_43 : i32
    %sign3A_45 = arith.extui %sign3A_44 : i1 to i32
    %sign3A_46 = arith.constant 0 : i32
    %sign3A_47 = arith.cmpi slt, %jit3A_34, %sign3A_46 : i32
    %sign3A_48 = arith.extui %sign3A_47 : i1 to i32
    %sign3A_49 = arith.subi %sign3A_45, %sign3A_48 : i32
    %ne3A_50 = arith.cmpi ne, %sign3A_42, %sign3A_49 : i32
    %rem3A_51 = arith.remsi %select_n3A_32, %jit3A_34 : i32
    %ne3A_52 = arith.constant 0 : i32
    %ne3A_53 = arith.cmpi ne, %rem3A_51, %ne3A_52 : i32
    %and3A_54 = arith.andi %ne3A_50, %ne3A_53 : i1
    %sub3A_55 = arith.constant 1 : i32
    %sub3A_56 = arith.subi %div3A_35, %sub3A_55 : i32
    %select_n3A_57 = arith.select %and3A_54, %sub3A_56, %div3A_35 : i32
    %add3A_58 = arith.addi %mul3A_33, %select_n3A_57 : i32
    %min3A = arith.constant 8 : i32
    %min3A_59 = arith.minsi %add3A_58, %min3A : i32
    %c0_i32 = arith.constant 0 : i32
    %c0_i32_60 = arith.constant 0 : i32
    %c0_i32_61 = arith.constant 0 : i32
    return %min3A_59, %c0_i32, %c0_i32_60 : i32, i32, i32
  }
  func.func @transform_4(%arg0: i32) -> (i32, i32) {
    %c0_i32 = arith.constant 0 : i32
    %c0_i32_0 = arith.constant 0 : i32
    %c0_i32_1 = arith.constant 0 : i32
    return %c0_i32, %c0_i32_0 : i32, i32
  }
  func.func @transform_5(%arg0: i32) -> (i32, i32) {
    %c0_i32 = arith.constant 0 : i32
    %c0_i32_0 = arith.constant 0 : i32
    %c0_i32_1 = arith.constant 0 : i32
    return %c0_i32, %c0_i32_0 : i32, i32
  }
}

</mosaic_0001>

<sc_bundles>
// kernel: kernel.4.cloned.1.call-start
scs
__scs_entry_jumppad:
0x0: {  	(pc) =	sbr.rel $0x88, $3  }
0x1: {  	(tag) =	ssettag $0x0;
	lr =	simm.s32 $0x1  }
0x2: {  	[smem:$0x3F6F] =	sst lr;
	_ =	strace $0xD0000000  }
0x3: {  	_ = 	snop  }
0x4: {  	_ = 	snop  }
0x5: {  	_ = 	snop  }
0x6: {  	_ = 	snop  }
0x7: {  	_ = 	snop  }
__scs_overlays_trampoline_lowered:
0x8: {  	[smem:$0x3F7E] =	sst s0  }
0x9: {  	[smem:$0x3F7F] =	sst s1  }
0xa: {  	[smem:$0x3F80] =	sst s2  }
0xb: {  	[smem:$0x3F81] =	sst s3  }
0xc: {  	[smem:$0x3F82] =	sst s4  }
0xd: {  	[smem:$0x3F83] =	sst s5  }
0xe: {  	[smem:$0x3F84] =	sst s6  }
0xf: {  	[smem:$0x3F85] =	sst s7  }
0x10: {  	[smem:$0x3F86] =	sst s8  }
0x11: {  	[smem:$0x3F87] =	sst s9;
	s0 =	simm.s32 @!p0 $0x0  }
0x12: {  	s1 =	sld [smem:$0x3F6D];
	s0 =	simm.s32 @p0 $0x1  }
0x13: {  	[smem:$0x3F88] =	sst s0;
	s0 =	simm.s32 @!p1 $0x0  }
0x14: {  	s2 =	sld [smem:$0x3F6C];
	s0 =	simm.s32 @p1 $0x1  }
0x15: {  	[smem:$0x3F89] =	sst s0;
	s0 =	simm.s32 @!p2 $0x0  }
0x16: {  	s3 =	sld [smem:$0x3FDB];
	s0 =	simm.s32 @p2 $0x1  }
0x17: {  	s4 =	simm.s32 $0x1BF5;
	[smem:$0x3F8B] =	sst s0  }
0x18: {  	s0 =	sld [smem:$0x3F6E];
	_ =	swait.ge [sflag:s4], $0x0  }
0x19: {  	s7 =	sld [smem:$0x3F6F]  }
0x1a: {  	s8 =	sadd.s32 $0xFFFFE003, lr  }
0x1b: {  	s9 =	sadd.s32 $0xFFFFFEF7, lr;
	s5 =	simm.s32 $0xFFFFFFFF;
	p2 =	slt.u32 s8, $0xFFFFF086  }
0x1c: {  	p1 =	slt.u32 s9, $0xF7A;
	s5 =	simm.s32 @!p2 $0x0  }
0x1d: {  	s5 =	simm.s32 @p1 $0x1;
	p0 =	seq.s32 s7, s2  }
0x1e: {  	s7 =	smul.u32 @!p0 $0xF7A, s2;
	p2 =	seq.s32 @!p0 s5, $0x0  }
0x1f: {  	s9 =	smul.u32 $0xF7A, s1;
	s8 =	simm.s32 @!p0 $0x1BF5;
	p2 =	por !p2, p0  }
0x20: {  	[sflag:s8] =	ssyncset.s32 @!p0 $0xFFFFF086;
	s6 =	sadd.s32 @!p0 s3, s7;
	s7 =	simm.s32 @!p0 $0x108  }
0x21: {  	s3 =	sadd.s32 s3, s9;
	s6 =	sadd.s32 @!p0 $0x88, s6;
	s7 =	simm.s32 @p2 $0x1082  }
0x22: {  	[simem:s7], [sflag:s8] =	dma.local @!p0 [hbm:s6], $0xF7A  }
0x23: {  	s9 =	sor.u32 $0xD0000000, s2;
	s6 =	simm.s32 $0x108;
	_ =	swait.ge @!p0 [sflag:s8], $0x0  }
0x24: {  	s3 =	sadd.s32 $0x88, s3;
	s6 =	simm.s32 @!p1 $0x1082;
	[sflag:s4] =	ssyncset.s32 $0xFFFFF086  }
0x25: {  	[simem:s6], [sflag:s4] =	dma.local [hbm:s3], $0xF7A  }
0x26: {  	[smem:$0x3F6F] =	sst s1;
	(tag) =	ssettag s2;
	_ =	strace s9  }
0x27: {  	s1 =	sld [smem:$0x3F7F]  }
0x28: {  	s2 =	sld [smem:$0x3F80]  }
0x29: {  	s4 =	sld [smem:$0x3F82]  }
0x2a: {  	p0 =	seq.s32 s5, $0x0;
	s5 =	sld [smem:$0x3F83]  }
0x2b: {  	s6 =	sld [smem:$0x3F84]  }
0x2c: {  	s7 =	sld [smem:$0x3F85]  }
0x2d: {  	s3 =	simm.s32 $0x108;
	s8 =	sld [smem:$0x3F86]  }
0x2e: {  	s3 =	simm.s32 @!p0 $0x1082;
	s9 =	sld [smem:$0x3F87]  }
0x2f: {  	lr =	sadd.s32 s0, s3;
	s0 =	sld [smem:$0x3F7E]  }
0x30: {  	s3 =	sld [smem:$0x3F81]  }
0x31: {  	[smem:$0x3F8A] =	sst s10  }
0x32: {  	s10 =	sld [smem:$0x3F88];
	_ =	sdelay $0x3  }
0x33: {  	p0 =	seq.s32 s10, $0x1;
	s10 =	sld [smem:$0x3F8A];
	_ =	sdelay $0x3  }
0x34: {  	[smem:$0x3F8A] =	sst s10  }
0x35: {  	s10 =	sld [smem:$0x3F89];
	_ =	sdelay $0x3  }
0x36: {  	p1 =	seq.s32 s10, $0x1;
	s10 =	sld [smem:$0x3F8A];
	_ =	sdelay $0x3  }
0x37: {  	[smem:$0x3F8A] =	sst s10  }
0x38: {  	s10 =	sld [smem:$0x3F8B]  }
0x39: {  	_ = 	snop;
	(pc) =	sbr.ind lr, $3  }
0x3a: {  	_ = 	snop  }
0x3b: {  	_ = 	snop  }
0x3c: {  	p2 =	seq.s32 s10, $0x1;
	s10 =	sld [smem:$0x3F8A]  }
0x3d: {  	_ =	shalt  }
0x3e: {  	_ =	shalt  }
0x3f: {  	_ =	shalt  }
0x40: {  	_ =	shalt  }
0x41: {  	_ =	shalt  }
0x42: {  	_ =	shalt  }
0x43: {  	_ =	shalt  }
0x44: {  	_ =	shalt  }
0x45: {  	_ =	shalt  }
0x46: {  	_ =	shalt  }
0x47: {  	_ =	shalt  }
0x48: {  	_ =	shalt  }
0x49: {  	_ =	shalt  }
0x4a: {  	_ =	shalt  }
0x4b: {  	_ =	shalt  }
0x4c: {  	_ =	shalt  }
0x4d: {  	_ =	shalt  }
0x4e: {  	_ =	shalt  }
0x4f: {  	_ =	shalt  }
0x50: {  	_ =	shalt  }
0x51: {  	_ =	shalt  }
0x52: {  	_ =	shalt  }
0x53: {  	_ =	shalt  }
0x54: {  	_ =	shalt  }
0x55: {  	_ =	shalt  }
0x56: {  	_ =	shalt  }
0x57: {  	_ =	shalt  }
0x58: {  	_ =	shalt  }
0x59: {  	_ =	shalt  }
0x5a: {  	_ =	shalt  }
0x5b: {  	_ =	shalt  }
0x5c: {  	_ =	shalt  }
0x5d: {  	_ =	shalt  }
0x5e: {  	_ =	shalt  }
0x5f: {  	_ =	shalt  }
0x60: {  	_ =	shalt  }
0x61: {  	_ =	shalt  }
0x62: {  	_ =	shalt  }
0x63: {  	_ =	shalt  }
0x64: {  	_ =	shalt  }
0x65: {  	_ =	shalt  }
0x66: {  	_ =	shalt  }
0x67: {  	_ =	shalt  }
0x68: {  	_ =	shalt  }
0x69: {  	_ =	shalt  }
0x6a: {  	_ =	shalt  }
0x6b: {  	_ =	shalt  }
0x6c: {  	_ =	shalt  }
0x6d: {  	_ =	shalt  }
0x6e: {  	_ =	shalt  }
0x6f: {  	_ =	shalt  }
0x70: {  	_ =	shalt  }
0x71: {  	_ =	shalt  }
0x72: {  	_ =	shalt  }
0x73: {  	_ =	shalt  }
0x74: {  	_ =	shalt  }
0x75: {  	_ =	shalt  }
0x76: {  	_ =	shalt  }
0x77: {  	_ =	shalt  }
0x78: {  	_ =	shalt  }
0x79: {  	_ =	shalt  }
0x7a: {  	_ =	shalt  }
0x7b: {  	_ =	shalt  }
0x7c: {  	_ =	shalt  }
0x7d: {  	_ =	shalt  }
0x7e: {  	_ =	shalt  }
0x7f: {  	_ =	shalt  }
0x80: {  	_ =	shalt  }
0x81: {  	_ =	shalt  }
0x82: {  	_ =	shalt  }
0x83: {  	_ =	shalt  }
0x84: {  	_ =	shalt  }
0x85: {  	_ =	shalt  }
0x86: {  	_ =	shalt  }
0x87: {  	_ =	shalt  }
.Lfunc_end0:
.L_simem_size_0:
called_computation_lowered:
.L_overlay_start_0:
0x88: {  	s2 =	sld [smem:$0x3FD9]  }
0x89: {  	s3 =	sld [smem:$0x3FFE];
	_ =	sdelay $0x1  }
0x8a: {  	s1 =	srdreg.scid  }
0x8b: {  	s0 =	sand.u32 $0x1, s1  }
0x8c: {  	s17 =	sshll.u32 s0, $0xA;
	s2 =	sadd.s32 s3, s2  }
0x8d: {  	s2 =	sadd.s32 s2, s17  }
0x8e: {  	[smem:$0x3F96] =	sst s2  }
0x8f: {  	_ = 	snop  }
0x90: {  	s2 =	sld [smem:$0x3FC9]  }
0x91: {  	s18 =	sld [smem:$0x3FC8];
	(tm) =	ssettm $0x1  }
0x92: {  	s4 =	sld [smem:$0x3FFB];
	_ =	sdelay $0x3  }
0x93: {  	_ =	strace s4  }
0x94: {  	s4 =	sld [smem:$0x3FFC];
	_ =	sdelay $0x3  }
0x95: {  	_ =	strace s4  }
0x96: {  	s4 =	sld [smem:$0x3FFD];
	_ =	sdelay $0x3  }
0x97: {  	_ =	strace s4  }
0x98: {  	_ =	strace $0x8FFFFFFF  }
0x99: {  	s19 =	sld [smem:$0x3FDB];
	_ =	sdelay $0x1  }
0x9a: {  	s5 =	simm.s32 $_scs_section_size  }
0x9b: {  	s6 =	simm.s32 $_size__tile_overlayer_lowered;
	s7 =	simm.s32 $_tile_overlayer_lowered  }
0x9c: {  	s22 =	simm.s32 $0x1BFF;
	s21 =	sshll.u32 s7, $0x1;
	s4 =	sadd.s32 s5, s19  }
0x9d: {  	s8 =	simm.s32 $0x0;
	s20 =	sshll.u32 s6, $0x1;
	s6 =	sadd.s32 s21, s4  }
0x9e: {  	[timem:s8], [sflag:s22] =	dma.local [hbm:s6], s20  }
0x9f: {  	_ =	swait.ge [sflag:s22], s20  }
0xa0: {  	s5 =	ssub.s32 $0x0, s20;
	[sflag:s22] =	ssyncset.done $0x0  }
0xa1: {  	[sflag:s22] =	ssyncadd.s32 s5;
	_ =	sdelay $0x1  }
0xa2: {  	s23 =	simm.s32 $0x1B8B  }
0xa3: {  	_ =	swait.ge [sflag:s23], $0x1  }
0xa4: {  	[sflag:s23] =	ssyncset.done $0x0  }
0xa5: {  	s25 =	simm.s32 $0x1B8E;
	s24 =	sld [smem:$0x3FFE];
	[sflag:s23] =	ssyncadd.s32 $0xFFFFFFFF  }
0xa6: {  	s26 =	simm.s32 $execute0_lowered;
	[smem:$0x3FD2] =	sst s25  }
0xa7: {  	s6 =	sshll.u32 s26, $0x1;
	_ =	strace $0x80000046;
	[dreg:$0x1] =	wrdreg $0xFFFFFFFF  }
0xa8: {  	s28 =	simm.s32 $_size_execute0_lowered;
	s4 =	sadd.s32 s4, s6;
	[dreg:$0x0] =	wrdreg $0x0  }
0xa9: {  	s6 =	sshll.u32 s28, $0x1;
	[dreg:$0x2] =	wrdreg s4  }
0xaa: {  	[dreg:$0x3] =	wrdreg s6  }
0xab: {  	[dreg:$0x4] =	wrdreg $0xC0  }
0xac: {  	_ =	task [dreg:s8], $0x5FFFF  }
0xad: {  	[dreg:$0x1] =	wrdreg $0xFFFFFFFF  }
0xae: {  	[dreg:$0x0] =	wrdreg $0x60  }
0xaf: {  	[dreg:$0x2] =	wrdreg s18  }
0xb0: {  	[dreg:$0x3] =	wrdreg s2  }
0xb1: {  	[dreg:$0x4] =	wrdreg s24  }
0xb2: {  	[dreg:$0x5] =	wrdreg $0x9  }
0xb3: {  	_ =	task.clear_ibuf [dreg:s8], $0x6FFFF;
	_ =	strace $0x90000046  }
0xb4: {  	s29 =	simm.s32 $0x9;
	_ =	strace $0x80000048  }
0xb5: {  	_ =	swait.ge [sflag:s29], $0x1  }
0xb6: {  	[sflag:s29] =	ssyncadd.s32 $0xFFFFFFFF  }
0xb7: {  	_ =	strace $0x90000048  }
0xb8: {  	_ =	sfence  }
0xb9: {  	s30 =	sld [smem:$0x0];
	_ =	sdelay $0x2  }
0xba: {  	s31 =	sshll.u32 s1, $0xD;
	s1 =	sshrl.u32 s1, $0x2  }
0xbb: {  	s3 =	sand.u32 $0x4000, s31;
	s1 =	sadd.s32 s1, s30  }
0xbc: {  	s0 =	sor.u32 s3, s0;
	s1 =	sshll.u32 s1, $0x11  }
0xbd: {  	s0 =	sor.u32 s1, s0  }
0xbe: {  	s0 =	sadd.s32 $0x8F2B, s0  }
0xbf: {  	[sflag:s0] =	ssyncadd.remote.s32 $0x1  }
0xc0: {  	_ =	sfence.sel $0xFFFF  }
0xc1: {  	[dreg:$0x0] =	wrdreg $0xFFFFFFFF;
	(pc) =	sbr.abs _section_cstart, $3  }
0xc2: {  	[dreg:$0x1] =	wrdreg $0xFFFFFFFF  }
0xc3: {  	_ =	task.clear_ibuf [dreg:s8], $0x2FFFF;
	_ =	strace $0x9FFFFFFF  }
0xc4: {  	(tm) =	ssettm $0x7FFFFFFF  }
0xc5: {  	_ =	shalt  }
tec
execute0_lowered:
.L_overlay_start_1:
0x0: {  	(tag) =	ssettag $0x1  }
0x1: {  	s1 =	rddreg [dreg:$0x0]  }
0x2: {  	s4 =	rddreg [dreg:$0x1]  }
0x3: {  	s5 =	rddreg [dreg:$0x2]  }
0x4: {  	s0 =	rddreg [dreg:$0x3];
	s6 =	srdreg.scid  }
0x5: {  	s3 =	simm.s32 $0x0;
	s2 =	stileid.u32;
	s10 =	simm.s32 $0x880  }
0x6: {  	s11 =	simm.s32 $0x1080;
	s12 =	simm.s32 $0x1880;
	s13 =	simm.s32 $0x2080  }
0x7: {  	s14 =	simm.s32 $0x2880;
	s15 =	simm.s32 $0x3080;
	s16 =	simm.s32 $0x3880  }
0x8: {  	s17 =	simm.s32 $0x4080;
	s18 =	simm.s32 $0x4880;
	s19 =	simm.s32 $0x5080  }
0x9: {  	s20 =	simm.s32 $0x5880;
	s21 =	simm.s32 $0x6080;
	s22 =	simm.s32 $0x6880  }
0xa: {  	s23 =	simm.s32 $0x7080;
	s24 =	simm.s32 $0x7880;
	s6 =	sand.u32 $0x1, s6  }
0xb: {  	s25 =	simm.s32 $0x1;
	s7 =	sshll.u32 s2, $0x7;
	s8 =	sshll.u32 s6, $0x6  }
0xc: {  	[smem:$0x7FF] =	sst s3;
	s6 =	ssub.s32 $0x2, s6;
	s7 =	sor.u32 s8, s7  }
0xd: {  	_ =	strace $0x80000047;
	s9 =	sshrl.u32 s6, $0x1;
	s8 =	sshll.u32 s7, $0x6  }
0xe: {  	v2 =	vlaneseq.u32;
	s7 =	sshrl.u32 s7, $0x3;
	s9 =	ssub.s32 s6, s9;
	s8 =	sadd.s32 s8, s5  }
0xf: {  	vm0 =	vmmov $0xffff;
	v1 =	vshrl.u32 v2, $0x3;
	s4 =	sadd.s32 s4, s7;
	s5 =	sadd.s32 $0x100, s1;
	s7 =	smax.u32 s9, $0x1  }
0x10: {  	v0 =	vand.u32 $0x7, v2;
	v2 =	vor.u32 $0x8, v2;
	v1 =	vmul.u32 $0x8, v1;
	s9 =	simm.s32 $0x80;
	s6 =	sadd.s32 $0x6600, s8;
	s8 =	simm.s32 $0x2  }
.LBB2_1:
0x11: {  	[tilespmem:s3], [sflag:$0x2] =	stream.linear.gather [hbm4b:s4+s3], $0x40, $0x38;
	[tilespmem:$0x8080] =	vst v63  }
0x12: {  	_ =	swait.ge [sflag:s8], $0x40  }
0x13: {  	[sflag:s8] =	ssyncset.done $0x0  }
0x14: {  	[sflag:s8] =	ssyncadd.s32 $0xFFFFFFC0  }
0x15: {  	v3 =	vld [tilespmem:$0x0];
	_ =	sdelay $0x4  }
0x16: {  	v4 =	vshll.u32 v3, $0x2  }
0x17: {  	v3 =	vand.u32 $0x7, v3;
	v4 =	vand.u32 $0xFFFFFFE0, v4  }
0x18: {  	v3 =	vor.u32 v3, v4  }
0x19: {  	v4 =	vperm.xlane v3, v0;
	_ =	sdelay $0x1  }
0x1a: {  	v4 =	vadd.s32 v1, v4;
	_ =	sdelay $0x1  }
0x1b: {  	v3 =	vperm.xlane v3, v2;
	_ =	sdelay $0x1  }
0x1c: {  	v3 =	vadd.s32 v1, v3  }
0x1d: {  	[tilespmem:s9], [sflag:$0x1] =	stream.indirect_vreg.gather [hbm4b:s1+s3], $0x80, v4, vm0, $0xb8;
	[tilespmem:$0x8080] =	vst v63  }
0x1e: {  	_ = 	snop  }
0x1f: {  	[tilespmem:s10], [sflag:$0x1] =	stream.indirect_vreg.gather [hbm4b:s5+s3], $0x80, v4, vm0, $0xb8;
	[tilespmem:$0x8080] =	vst v63  }
0x20: {  	_ = 	snop  }
0x21: {  	[tilespmem:s11], [sflag:$0x1] =	stream.indirect_vreg.gather [hbm4b:s1+s3], $0x80, v3, vm0, $0xb8;
	[tilespmem:$0x8080] =	vst v63  }
0x22: {  	_ = 	snop  }
0x23: {  	[tilespmem:s12], [sflag:$0x1] =	stream.indirect_vreg.gather [hbm4b:s5+s3], $0x80, v3, vm0, $0xb8;
	[tilespmem:$0x8080] =	vst v63  }
0x24: {  	v3 =	vld [tilespmem:$0x10];
	_ =	sdelay $0x4  }
0x25: {  	v61 =	vshll.u32 v3, $0x2  }
0x26: {  	v3 =	vand.u32 $0x7, v3;
	v4 =	vand.u32 $0xFFFFFFE0, v61  }
0x27: {  	v3 =	vor.u32 v3, v4  }
0x28: {  	v4 =	vperm.xlane v3, v0;
	_ =	sdelay $0x1  }
0x29: {  	v4 =	vadd.s32 v1, v4;
	_ =	sdelay $0x1  }
0x2a: {  	v3 =	vperm.xlane v3, v2;
	_ =	sdelay $0x1  }
0x2b: {  	v3 =	vadd.s32 v1, v3  }
0x2c: {  	[tilespmem:s13], [sflag:$0x1] =	stream.indirect_vreg.gather [hbm4b:s1+s3], $0x80, v4, vm0, $0xb8;
	[tilespmem:$0x8080] =	vst v63  }
0x2d: {  	_ = 	snop  }
0x2e: {  	[tilespmem:s14], [sflag:$0x1] =	stream.indirect_vreg.gather [hbm4b:s5+s3], $0x80, v4, vm0, $0xb8;
	[tilespmem:$0x8080] =	vst v63  }
0x2f: {  	_ = 	snop  }
0x30: {  	[tilespmem:s15], [sflag:$0x1] =	stream.indirect_vreg.gather [hbm4b:s1+s3], $0x80, v3, vm0, $0xb8;
	[tilespmem:$0x8080] =	vst v63  }
0x31: {  	_ = 	snop  }
0x32: {  	[tilespmem:s16], [sflag:$0x1] =	stream.indirect_vreg.gather [hbm4b:s5+s3], $0x80, v3, vm0, $0xb8;
	[tilespmem:$0x8080] =	vst v63  }
0x33: {  	v3 =	vld [tilespmem:$0x20];
	_ =	sdelay $0x4  }
0x34: {  	v62 =	vshll.u32 v3, $0x2  }
0x35: {  	v3 =	vand.u32 $0x7, v3;
	v4 =	vand.u32 $0xFFFFFFE0, v62  }
0x36: {  	v3 =	vor.u32 v3, v4  }
0x37: {  	v4 =	vperm.xlane v3, v0;
	_ =	sdelay $0x1  }
0x38: {  	v4 =	vadd.s32 v1, v4;
	_ =	sdelay $0x1  }
0x39: {  	v3 =	vperm.xlane v3, v2;
	_ =	sdelay $0x1  }
0x3a: {  	v3 =	vadd.s32 v1, v3  }
0x3b: {  	[tilespmem:s17], [sflag:$0x1] =	stream.indirect_vreg.gather [hbm4b:s1+s3], $0x80, v4, vm0, $0xb8;
	[tilespmem:$0x8080] =	vst v63  }
0x3c: {  	_ = 	snop  }
0x3d: {  	[tilespmem:s18], [sflag:$0x1] =	stream.indirect_vreg.gather [hbm4b:s5+s3], $0x80, v4, vm0, $0xb8;
	[tilespmem:$0x8080] =	vst v63  }
0x3e: {  	_ = 	snop  }
0x3f: {  	[tilespmem:s19], [sflag:$0x1] =	stream.indirect_vreg.gather [hbm4b:s1+s3], $0x80, v3, vm0, $0xb8;
	[tilespmem:$0x8080] =	vst v63  }
0x40: {  	_ = 	snop  }
0x41: {  	[tilespmem:s20], [sflag:$0x1] =	stream.indirect_vreg.gather [hbm4b:s5+s3], $0x80, v3, vm0, $0xb8;
	[tilespmem:$0x8080] =	vst v63  }
0x42: {  	v3 =	vld [tilespmem:$0x30];
	_ =	sdelay $0x4  }
0x43: {  	v63 =	vshll.u32 v3, $0x2  }
0x44: {  	v3 =	vand.u32 $0x7, v3;
	v4 =	vand.u32 $0xFFFFFFE0, v63  }
0x45: {  	v3 =	vor.u32 v3, v4  }
0x46: {  	v4 =	vperm.xlane v3, v0;
	_ =	sdelay $0x1  }
0x47: {  	v4 =	vadd.s32 v1, v4;
	_ =	sdelay $0x1  }
0x48: {  	v3 =	vperm.xlane v3, v2;
	_ =	sdelay $0x1  }
0x49: {  	v3 =	vadd.s32 v1, v3  }
0x4a: {  	[tilespmem:s21], [sflag:$0x1] =	stream.indirect_vreg.gather [hbm4b:s1+s3], $0x80, v4, vm0, $0xb8;
	[tilespmem:$0x8080] =	vst v63  }
0x4b: {  	_ = 	snop  }
0x4c: {  	[tilespmem:s22], [sflag:$0x1] =	stream.indirect_vreg.gather [hbm4b:s5+s3], $0x80, v4, vm0, $0xb8;
	[tilespmem:$0x8080] =	vst v63  }
0x4d: {  	_ = 	snop  }
0x4e: {  	[tilespmem:s23], [sflag:$0x1] =	stream.indirect_vreg.gather [hbm4b:s1+s3], $0x80, v3, vm0, $0xb8;
	[tilespmem:$0x8080] =	vst v63  }
0x4f: {  	_ = 	snop  }
0x50: {  	[tilespmem:s24], [sflag:$0x1] =	stream.indirect_vreg.gather [hbm4b:s5+s3], $0x80, v3, vm0, $0xb8;
	[tilespmem:$0x8080] =	vst v63  }
0x51: {  	_ =	swait.ge [sflag:s25], $0x8000  }
0x52: {  	p0 =	sne.s32 s7, $0x1;
	[sflag:s25] =	ssyncset.done $0x0  }
.Ltmp0:
0x53: {  	[sflag:s25] =	ssyncadd.s32 $0xFFFF8000;
	(pc) =	sbr.rel @p0 .LBB2_1-.Ltmp0, $4  }
0x54: {  	[hbm4b:s6+s3] =	stream.linear.scatter [tilespmem:s9], [sflag:$0x2], $0x8000, $0x38;
	[tilespmem:$0x8080] =	vst v63  }
0x55: {  	_ =	swait.ge [sflag:s8], $0x8000  }
0x56: {  	[sflag:s8] =	ssyncset.done $0x0  }
0x57: {  	s7 =	sadd.s32 $0xFFFFFFFF, s7;
	[sflag:s8] =	ssyncadd.s32 $0xFFFF8000  }
0x58: {  	_ =	sfence.sel $0x180000  }
0x59: {  	[bflag:$0x0] =	sbarrier.arrive $0xFFFF  }
0x5a: {  	p0 =	sne.s32 s2, $0x0;
	_ =	strace $0x90000047  }
0x5b: {  	s0 =	sadd.s32 @!p0 $0x100000, s0;
	[bflag:$0x2] =	sbarrier.arrive $0xFFFF  }
0x5c: {  	[sflag:s0] =	ssyncadd.tile.s32 @!p0 $0x1;
	_ =	shalt  }
.Lfunc_end2:
_tile_overlayer_lowered:
.L_overlay_start_2:
0x5d: {  	(tag) =	ssettag $0x2  }
0x5e: {  	s0 =	rddreg [dreg:$0x0];
	s2 =	stileid.u32  }
0x5f: {  	s1 =	rddreg [dreg:$0x1];
	p0 =	sne.s32 s2, $0x0  }
0x60: {  	s3 =	rddreg [dreg:$0x2];
	[bflag:$0x3] =	sbarrier.arrive $0xFFFF;
	s2 =	simm.s32 @!p0 $0x1C02  }
0x61: {  	[timem:s3], [sflag:s2] =	dma.local @!p0 [hbm:s0], s1  }
0x62: {  	s0 =	simm.s32 @!p0 $0x2  }
0x63: {  	_ =	swait.ge @!p0 [sflag:s0], s1  }
0x64: {  	s1 =	ssub.s32 @!p0 $0x0, s1;
	[sflag:s0] =	ssyncset.done @!p0 $0x0  }
0x65: {  	[sflag:s0] =	ssyncadd.s32 @!p0 s1  }
0x66: {  	[bflag:$0x3] =	sbarrier.arrive $0xFFFF  }
0x67: {  	_ =	shalt  }

</sc_bundles>
